<compile_context>
chip_gen: v7x
topology: tpu7x:2x2x1
jax: 0.10.2.dev20260603
libtpu: 0.0.44.dev20260713+nightly
codegen_flags: <defaults>
</compile_context>

<pallas_src>
import jax
import jax.numpy as jnp
from jax import lax
from jax.experimental import pallas as pl
from jax.experimental.pallas import tpu as pltpu
from jax.experimental.pallas import tpu_sc as plsc

BATCH = 16384
EMB = 16
NSUB = 16
BPW = BATCH // NSUB
NBOOK = 100000


def _body(ids_hbm, uemb_hbm, ubias_hbm, bemb_hbm, bbias_hbm,
          out_hbm,
          uid_v, bid_v, urows, brows, ubias_v, bbias_v, acc_v, allacc, out_v,
          shared,
          sem0, sem1, sem2, sem3):
  sid = lax.axis_index("s")
  base = sid * BPW

  pltpu.sync_copy(ids_hbm.at[0, pl.ds(base, BPW)], uid_v)
  pltpu.sync_copy(ids_hbm.at[1, pl.ds(base, BPW)], bid_v)

  cpu = pltpu.async_copy(uemb_hbm.at[uid_v], urows, sem0)
  cpb = pltpu.async_copy(bemb_hbm.at[bid_v], brows, sem1)
  cpub = pltpu.async_copy(ubias_hbm.at[uid_v], ubias_v, sem2)
  cpbb = pltpu.async_copy(bbias_hbm.at[bid_v], bbias_v, sem3)
  cpu.wait()
  cpb.wait()

  def dot_step(i, accs):
    a0, a1, a2, a3 = accs
    r = i * 4
    a0 = a0 + urows[r, :] * brows[r, :]
    a1 = a1 + urows[r + 1, :] * brows[r + 1, :]
    a2 = a2 + urows[r + 2, :] * brows[r + 2, :]
    a3 = a3 + urows[r + 3, :] * brows[r + 3, :]
    return a0, a1, a2, a3

  z = jnp.zeros((EMB,), jnp.float32)
  a0, a1, a2, a3 = lax.fori_loop(0, BPW // 4, dot_step, (z, z, z, z))
  acc_v[...] = (a0 + a1) + (a2 + a3)
  pltpu.sync_copy(acc_v, shared.at[sid])
  plsc.subcore_barrier()
  pltpu.sync_copy(shared, allacc)

  def sum_step(i, a):
    return a + allacc[i, :]

  tot = lax.fori_loop(0, NSUB, sum_step, jnp.zeros((EMB,), jnp.float32))
  s = tot[0]
  for i in range(1, EMB):
    s = s + tot[i]

  cpub.wait()
  cpbb.wait()

  def out_step(i, carry):
    x = s + ubias_v[pl.ds(i * 16, 16)] + bbias_v[pl.ds(i * 16, 16)]
    out_v[pl.ds(i * 16, 16)] = 1.0 / (1.0 + jnp.exp(-x))
    return carry

  lax.fori_loop(0, BPW // 16, out_step, 0)
  pltpu.sync_copy(out_v, out_hbm.at[pl.ds(base, BPW)])


@jax.jit
def _run(ids, user_emb, user_bias, book_emb, book_bias):
  mesh = plsc.VectorSubcoreMesh(
      core_axis_name="c", subcore_axis_name="s", num_cores=1,
      num_subcores=NSUB)
  f = pl.kernel(
      _body,
      out_type=jax.ShapeDtypeStruct((BATCH,), jnp.float32),
      mesh=mesh,
      compiler_params=pltpu.CompilerParams(use_tc_tiling_on_sc=False),
      scratch_types=[
          pltpu.VMEM((BPW,), jnp.int32),
          pltpu.VMEM((BPW,), jnp.int32),
          pltpu.VMEM((BPW, EMB), jnp.float32),
          pltpu.VMEM((BPW, EMB), jnp.float32),
          pltpu.VMEM((BPW,), jnp.float32),
          pltpu.VMEM((BPW,), jnp.float32),
          pltpu.VMEM((EMB,), jnp.float32),
          pltpu.VMEM((NSUB, EMB), jnp.float32),
          pltpu.VMEM((BPW,), jnp.float32),
          pltpu.VMEM_SHARED((NSUB, EMB), jnp.float32),
          pltpu.SemaphoreType.DMA,
          pltpu.SemaphoreType.DMA,
          pltpu.SemaphoreType.DMA,
          pltpu.SemaphoreType.DMA,
      ],
  )
  return f(ids, user_emb, user_bias, book_emb, book_bias)


def kernel(inputs, user_emb, user_bias, book_emb, book_bias):
  nb = book_emb.shape[0]
  out = _run(inputs.T, user_emb[:nb], user_bias[:nb, 0],
             book_emb, book_bias[:, 0])
  return out.reshape(BATCH, 1)

# --- scband reference (transcript-rebuilt; emitter-appended) ---
"""Pipeline reference for scband-book-recommender-66683662238101 (READ-ONLY COPY).

The authoritative reference and input builder live on the scoring server;
editing this copy changes nothing except your own understanding.
"""

import jax, jax.numpy as jnp
import numpy as np

NUM_USERS = 1000000
NUM_BOOKS = 100000
EMB = 16
BATCH = 16384


def setup_inputs(seed: int = 0) -> dict:
    key = jax.random.key(seed)
    k1, k2, k3, k4, k5 = jax.random.split(key, 5)
    inputs = jax.random.randint(k1, (BATCH, 2), 0, 100000, dtype=jnp.int32)
    # he_normal init: stddev = sqrt(2 / fan_in)
    user_emb = jax.random.normal(k2, (NUM_USERS, EMB), dtype=jnp.float32) * np.sqrt(2.0 / NUM_USERS)
    book_emb = jax.random.normal(k3, (NUM_BOOKS, EMB), dtype=jnp.float32) * np.sqrt(2.0 / NUM_BOOKS)
    # keras Embedding default init: uniform(-0.05, 0.05)
    user_bias = jax.random.uniform(k4, (NUM_USERS, 1), dtype=jnp.float32, minval=-0.05, maxval=0.05)
    book_bias = jax.random.uniform(k5, (NUM_BOOKS, 1), dtype=jnp.float32, minval=-0.05, maxval=0.05)
    return {"inputs": inputs, "user_emb": user_emb, "user_bias": user_bias,
            "book_emb": book_emb, "book_bias": book_bias}


def reference(inputs, user_emb, user_bias, book_emb, book_bias):
    uid = inputs[:, 0]
    bid = inputs[:, 1]
    user_vector = jnp.take(user_emb, uid, axis=0)        # [B, EMB]
    ub = jnp.take(user_bias, uid, axis=0)                # [B, 1]
    book_vector = jnp.take(book_emb, bid, axis=0)        # [B, EMB]
    bb = jnp.take(book_bias, bid, axis=0)                # [B, 1]
    # Faithful to tf.tensordot(user_vector, book_vector, 2): full contraction -> scalar
    dot_user_book = jnp.tensordot(user_vector, book_vector, 2)
    x = dot_user_book + ub + bb                           # broadcast -> [B, 1]
    return jax.nn.sigmoid(x)

if __name__ == "__main__":
    import jax
    _d = setup_inputs()
    print(jax.jit(kernel)(*tuple(_d.values())))

</pallas_src>

<mosaic_0001>
#map = affine_map<(d0, d1) -> (0, 0)>
#map1 = affine_map<(d0, d1) -> (0)>
module attributes {stable_mosaic.version = 14 : i64} {
  func.func @_body(%arg0: i32, %arg1: i32, %arg2: memref<2x16384xi32, #tpu.memory_space<hbm>>, %arg3: memref<100000x16xf32, #tpu.memory_space<hbm>>, %arg4: memref<100000xf32, #tpu.memory_space<hbm>>, %arg5: memref<100000x16xf32, #tpu.memory_space<hbm>>, %arg6: memref<100000xf32, #tpu.memory_space<hbm>>, %arg7: memref<16384xf32, #tpu.memory_space<hbm>>, %arg8: memref<1024xi32, #tpu.memory_space<vmem>>, %arg9: memref<1024xi32, #tpu.memory_space<vmem>>, %arg10: memref<1024x16xf32, #tpu.memory_space<vmem>>, %arg11: memref<1024x16xf32, #tpu.memory_space<vmem>>, %arg12: memref<1024xf32, #tpu.memory_space<vmem>>, %arg13: memref<1024xf32, #tpu.memory_space<vmem>>, %arg14: memref<16xf32, #tpu.memory_space<vmem>>, %arg15: memref<16x16xf32, #tpu.memory_space<vmem>>, %arg16: memref<1024xf32, #tpu.memory_space<vmem>>, %arg17: memref<16x16xf32, #tpu.memory_space<vmem_shared>>, %arg18: memref<!tpu.dma_semaphore, #tpu.memory_space<semaphore_mem>>, %arg19: memref<!tpu.dma_semaphore, #tpu.memory_space<semaphore_mem>>, %arg20: memref<!tpu.dma_semaphore, #tpu.memory_space<semaphore_mem>>, %arg21: memref<!tpu.dma_semaphore, #tpu.memory_space<semaphore_mem>>) attributes {dimension_semantics = [#tpu.dimension_semantics<core_parallel>, #tpu.dimension_semantics<subcore_parallel>], iteration_bounds = array<i64: 1, 16>, scalar_prefetch = 0 : i64, scratch_operands = 14 : i64, tpu.core_type = #tpu.core_type<sc_vector_subcore>, window_params = [{transform_indices = #map}, {transform_indices = #map}, {transform_indices = #map1}, {transform_indices = #map}, {transform_indices = #map1}, {transform_indices = #map1}]} {
    %mul3A = arith.constant 1024 : i32
    %mul3A_0 = arith.muli %arg1, %mul3A : i32
    %run_scoped3A = arith.constant 0 : i32
    "tpu.region"() ({
      %run_scoped3A_90 = tpu.sem_alloc : memref<!tpu.dma_semaphore, #tpu.memory_space<semaphore_mem>>
      %dma_start3A_91 = tpu.memref_slice %arg2[%run_scoped3A, %mul3A_0] : memref<2x16384xi32, #tpu.memory_space<hbm>> -> memref<1x1024xi32, #tpu.memory_space<hbm>>
      %dma_start3A_92 = tpu.memref_squeeze %dma_start3A_91 : memref<1x1024xi32, #tpu.memory_space<hbm>> -> memref<1024xi32, #tpu.memory_space<hbm>>
      %dma_start3A_93 = tpu.memref_slice %arg2[%run_scoped3A, %mul3A_0] : memref<2x16384xi32, #tpu.memory_space<hbm>> -> memref<1x1024xi32, #tpu.memory_space<hbm>>
      %dma_start3A_94 = tpu.memref_squeeze %dma_start3A_93 : memref<1x1024xi32, #tpu.memory_space<hbm>> -> memref<1024xi32, #tpu.memory_space<hbm>>
      tpu.enqueue_dma source(%dma_start3A_94 : memref<1024xi32, #tpu.memory_space<hbm>>) target(%arg8 : memref<1024xi32, #tpu.memory_space<vmem>>) target_semaphore(%run_scoped3A_90 : memref<!tpu.dma_semaphore, #tpu.memory_space<semaphore_mem>>)
      %dma_wait3A_95 = tpu.memref_slice %arg2[%run_scoped3A, %mul3A_0] : memref<2x16384xi32, #tpu.memory_space<hbm>> -> memref<1x1024xi32, #tpu.memory_space<hbm>>
      %dma_wait3A_96 = tpu.memref_squeeze %dma_wait3A_95 : memref<1x1024xi32, #tpu.memory_space<hbm>> -> memref<1024xi32, #tpu.memory_space<hbm>>
      %dma_wait3A_97 = tpu.memref_slice %arg2[%run_scoped3A, %mul3A_0] : memref<2x16384xi32, #tpu.memory_space<hbm>> -> memref<1x1024xi32, #tpu.memory_space<hbm>>
      %dma_wait3A_98 = tpu.memref_squeeze %dma_wait3A_97 : memref<1x1024xi32, #tpu.memory_space<hbm>> -> memref<1024xi32, #tpu.memory_space<hbm>>
      tpu.wait_dma2 semaphore(%run_scoped3A_90 : memref<!tpu.dma_semaphore, #tpu.memory_space<semaphore_mem>>) src(%dma_wait3A_98 : memref<1024xi32, #tpu.memory_space<hbm>>) dst(%arg8 : memref<1024xi32, #tpu.memory_space<vmem>>)
      tpu.yield
    }) : () -> ()
    %run_scoped3A_1 = arith.constant 1 : i32
    "tpu.region"() ({
      %run_scoped3A_90 = tpu.sem_alloc : memref<!tpu.dma_semaphore, #tpu.memory_space<semaphore_mem>>
      %dma_start3A_91 = tpu.memref_slice %arg2[%run_scoped3A_1, %mul3A_0] : memref<2x16384xi32, #tpu.memory_space<hbm>> -> memref<1x1024xi32, #tpu.memory_space<hbm>>
      %dma_start3A_92 = tpu.memref_squeeze %dma_start3A_91 : memref<1x1024xi32, #tpu.memory_space<hbm>> -> memref<1024xi32, #tpu.memory_space<hbm>>
      %dma_start3A_93 = tpu.memref_slice %arg2[%run_scoped3A_1, %mul3A_0] : memref<2x16384xi32, #tpu.memory_space<hbm>> -> memref<1x1024xi32, #tpu.memory_space<hbm>>
      %dma_start3A_94 = tpu.memref_squeeze %dma_start3A_93 : memref<1x1024xi32, #tpu.memory_space<hbm>> -> memref<1024xi32, #tpu.memory_space<hbm>>
      tpu.enqueue_dma source(%dma_start3A_94 : memref<1024xi32, #tpu.memory_space<hbm>>) target(%arg9 : memref<1024xi32, #tpu.memory_space<vmem>>) target_semaphore(%run_scoped3A_90 : memref<!tpu.dma_semaphore, #tpu.memory_space<semaphore_mem>>)
      %dma_wait3A_95 = tpu.memref_slice %arg2[%run_scoped3A_1, %mul3A_0] : memref<2x16384xi32, #tpu.memory_space<hbm>> -> memref<1x1024xi32, #tpu.memory_space<hbm>>
      %dma_wait3A_96 = tpu.memref_squeeze %dma_wait3A_95 : memref<1x1024xi32, #tpu.memory_space<hbm>> -> memref<1024xi32, #tpu.memory_space<hbm>>
      %dma_wait3A_97 = tpu.memref_slice %arg2[%run_scoped3A_1, %mul3A_0] : memref<2x16384xi32, #tpu.memory_space<hbm>> -> memref<1x1024xi32, #tpu.memory_space<hbm>>
      %dma_wait3A_98 = tpu.memref_squeeze %dma_wait3A_97 : memref<1x1024xi32, #tpu.memory_space<hbm>> -> memref<1024xi32, #tpu.memory_space<hbm>>
      tpu.wait_dma2 semaphore(%run_scoped3A_90 : memref<!tpu.dma_semaphore, #tpu.memory_space<semaphore_mem>>) src(%dma_wait3A_98 : memref<1024xi32, #tpu.memory_space<hbm>>) dst(%arg9 : memref<1024xi32, #tpu.memory_space<vmem>>)
      tpu.yield
    }) : () -> ()
    %dma_start3A = arith.constant 0 : i32
    %dma_start3A_2 = arith.constant 0 : i32
    %dma_start3A_3 = tpu.memref_slice %arg3[%dma_start3A, %dma_start3A_2] : memref<100000x16xf32, #tpu.memory_space<hbm>> -> memref<100000x16xf32, #tpu.memory_space<hbm>>
    tpu.enqueue_indirect_dma source(%dma_start3A_3 : memref<100000x16xf32, #tpu.memory_space<hbm>>) target(%arg10 : memref<1024x16xf32, #tpu.memory_space<vmem>>) offsets(%arg8 : memref<1024xi32, #tpu.memory_space<vmem>>) semaphore(%arg18 : memref<!tpu.dma_semaphore, #tpu.memory_space<semaphore_mem>>)
    %dma_start3A_4 = arith.constant 0 : i32
    %dma_start3A_5 = arith.constant 0 : i32
    %dma_start3A_6 = tpu.memref_slice %arg5[%dma_start3A_4, %dma_start3A_5] : memref<100000x16xf32, #tpu.memory_space<hbm>> -> memref<100000x16xf32, #tpu.memory_space<hbm>>
    tpu.enqueue_indirect_dma source(%dma_start3A_6 : memref<100000x16xf32, #tpu.memory_space<hbm>>) target(%arg11 : memref<1024x16xf32, #tpu.memory_space<vmem>>) offsets(%arg9 : memref<1024xi32, #tpu.memory_space<vmem>>) semaphore(%arg19 : memref<!tpu.dma_semaphore, #tpu.memory_space<semaphore_mem>>)
    %dma_start3A_7 = arith.constant 0 : i32
    %dma_start3A_8 = tpu.memref_slice %arg4[%dma_start3A_7] : memref<100000xf32, #tpu.memory_space<hbm>> -> memref<100000xf32, #tpu.memory_space<hbm>>
    tpu.enqueue_indirect_dma source(%dma_start3A_8 : memref<100000xf32, #tpu.memory_space<hbm>>) target(%arg12 : memref<1024xf32, #tpu.memory_space<vmem>>) offsets(%arg8 : memref<1024xi32, #tpu.memory_space<vmem>>) semaphore(%arg20 : memref<!tpu.dma_semaphore, #tpu.memory_space<semaphore_mem>>)
    %dma_start3A_9 = arith.constant 0 : i32
    %dma_start3A_10 = tpu.memref_slice %arg6[%dma_start3A_9] : memref<100000xf32, #tpu.memory_space<hbm>> -> memref<100000xf32, #tpu.memory_space<hbm>>
    tpu.enqueue_indirect_dma source(%dma_start3A_10 : memref<100000xf32, #tpu.memory_space<hbm>>) target(%arg13 : memref<1024xf32, #tpu.memory_space<vmem>>) offsets(%arg9 : memref<1024xi32, #tpu.memory_space<vmem>>) semaphore(%arg21 : memref<!tpu.dma_semaphore, #tpu.memory_space<semaphore_mem>>)
    %dma_wait3A = arith.constant 0 : i32
    %dma_wait3A_11 = arith.constant 0 : i32
    %dma_wait3A_12 = tpu.memref_slice %arg3[%dma_wait3A, %dma_wait3A_11] : memref<100000x16xf32, #tpu.memory_space<hbm>> -> memref<100000x16xf32, #tpu.memory_space<hbm>>
    tpu.wait_indirect_dma semaphore(%arg18 : memref<!tpu.dma_semaphore, #tpu.memory_space<semaphore_mem>>) src(%dma_wait3A_12 : memref<100000x16xf32, #tpu.memory_space<hbm>>) dst(%arg10 : memref<1024x16xf32, #tpu.memory_space<vmem>>)
    %dma_wait3A_13 = arith.constant 0 : i32
    %dma_wait3A_14 = arith.constant 0 : i32
    %dma_wait3A_15 = tpu.memref_slice %arg5[%dma_wait3A_13, %dma_wait3A_14] : memref<100000x16xf32, #tpu.memory_space<hbm>> -> memref<100000x16xf32, #tpu.memory_space<hbm>>
    tpu.wait_indirect_dma semaphore(%arg19 : memref<!tpu.dma_semaphore, #tpu.memory_space<semaphore_mem>>) src(%dma_wait3A_15 : memref<100000x16xf32, #tpu.memory_space<hbm>>) dst(%arg11 : memref<1024x16xf32, #tpu.memory_space<vmem>>)
    %broadcast_in_dim3A = arith.constant 0.000000e+00 : f32
    %broadcast_in_dim3A_16 = vector.broadcast %broadcast_in_dim3A : f32 to vector<16xf32>
    %scan3A = arith.constant 0 : i32
    %scan3A_17 = arith.constant 256 : i32
    %scan3A_18 = arith.addi %scan3A, %scan3A_17 : i32
    %scan3A_19 = arith.constant 1 : i32
    %scan3A_20:4 = scf.for %scan3A_90 = %scan3A to %scan3A_18 step %scan3A_19 iter_args(%scan3A_91 = %broadcast_in_dim3A_16, %scan3A_92 = %broadcast_in_dim3A_16, %scan3A_93 = %broadcast_in_dim3A_16, %scan3A_94 = %broadcast_in_dim3A_16) -> (vector<16xf32>, vector<16xf32>, vector<16xf32>, vector<16xf32>)  : i32 {
      %mul3A_95 = arith.constant 4 : i32
      %mul3A_96 = arith.muli %scan3A_90, %mul3A_95 : i32
      %get3A = arith.index_cast %mul3A_96 : i32 to index
      %get3A_97 = arith.constant 0 : index
      %get3A_98 = tpu.vector_load %arg10[%get3A, %get3A_97] {strides = array<i32>} : memref<1024x16xf32, #tpu.memory_space<vmem>>, vector<1x16xf32>,
      %get3A_99 = vector.shape_cast %get3A_98 : vector<1x16xf32> to vector<16xf32>
      %get3A_100 = arith.index_cast %mul3A_96 : i32 to index
      %get3A_101 = arith.constant 0 : index
      %get3A_102 = tpu.vector_load %arg11[%get3A_100, %get3A_101] {strides = array<i32>} : memref<1024x16xf32, #tpu.memory_space<vmem>>, vector<1x16xf32>,
      %get3A_103 = vector.shape_cast %get3A_102 : vector<1x16xf32> to vector<16xf32>
      %mul3A_104 = arith.mulf %get3A_99, %get3A_103 : vector<16xf32>
      %add3A_105 = arith.addf %scan3A_91, %mul3A_104 : vector<16xf32>
      %add3A_106 = arith.constant 1 : i32
      %add3A_107 = arith.addi %mul3A_96, %add3A_106 : i32
      %get3A_108 = arith.index_cast %add3A_107 : i32 to index
      %get3A_109 = arith.constant 0 : index
      %get3A_110 = tpu.vector_load %arg10[%get3A_108, %get3A_109] {strides = array<i32>} : memref<1024x16xf32, #tpu.memory_space<vmem>>, vector<1x16xf32>,
      %get3A_111 = vector.shape_cast %get3A_110 : vector<1x16xf32> to vector<16xf32>
      %add3A_112 = arith.constant 1 : i32
      %add3A_113 = arith.addi %mul3A_96, %add3A_112 : i32
      %get3A_114 = arith.index_cast %add3A_113 : i32 to index
      %get3A_115 = arith.constant 0 : index
      %get3A_116 = tpu.vector_load %arg11[%get3A_114, %get3A_115] {strides = array<i32>} : memref<1024x16xf32, #tpu.memory_space<vmem>>, vector<1x16xf32>,
      %get3A_117 = vector.shape_cast %get3A_116 : vector<1x16xf32> to vector<16xf32>
      %mul3A_118 = arith.mulf %get3A_111, %get3A_117 : vector<16xf32>
      %add3A_119 = arith.addf %scan3A_92, %mul3A_118 : vector<16xf32>
      %add3A_120 = arith.constant 2 : i32
      %add3A_121 = arith.addi %mul3A_96, %add3A_120 : i32
      %get3A_122 = arith.index_cast %add3A_121 : i32 to index
      %get3A_123 = arith.constant 0 : index
      %get3A_124 = tpu.vector_load %arg10[%get3A_122, %get3A_123] {strides = array<i32>} : memref<1024x16xf32, #tpu.memory_space<vmem>>, vector<1x16xf32>,
      %get3A_125 = vector.shape_cast %get3A_124 : vector<1x16xf32> to vector<16xf32>
      %add3A_126 = arith.constant 2 : i32
      %add3A_127 = arith.addi %mul3A_96, %add3A_126 : i32
      %get3A_128 = arith.index_cast %add3A_127 : i32 to index
      %get3A_129 = arith.constant 0 : index
      %get3A_130 = tpu.vector_load %arg11[%get3A_128, %get3A_129] {strides = array<i32>} : memref<1024x16xf32, #tpu.memory_space<vmem>>, vector<1x16xf32>,
      %get3A_131 = vector.shape_cast %get3A_130 : vector<1x16xf32> to vector<16xf32>
      %mul3A_132 = arith.mulf %get3A_125, %get3A_131 : vector<16xf32>
      %add3A_133 = arith.addf %scan3A_93, %mul3A_132 : vector<16xf32>
      %add3A_134 = arith.constant 3 : i32
      %add3A_135 = arith.addi %mul3A_96, %add3A_134 : i32
      %get3A_136 = arith.index_cast %add3A_135 : i32 to index
      %get3A_137 = arith.constant 0 : index
      %get3A_138 = tpu.vector_load %arg10[%get3A_136, %get3A_137] {strides = array<i32>} : memref<1024x16xf32, #tpu.memory_space<vmem>>, vector<1x16xf32>,
      %get3A_139 = vector.shape_cast %get3A_138 : vector<1x16xf32> to vector<16xf32>
      %add3A_140 = arith.constant 3 : i32
      %add3A_141 = arith.addi %mul3A_96, %add3A_140 : i32
      %get3A_142 = arith.index_cast %add3A_141 : i32 to index
      %get3A_143 = arith.constant 0 : index
      %get3A_144 = tpu.vector_load %arg11[%get3A_142, %get3A_143] {strides = array<i32>} : memref<1024x16xf32, #tpu.memory_space<vmem>>, vector<1x16xf32>,
      %get3A_145 = vector.shape_cast %get3A_144 : vector<1x16xf32> to vector<16xf32>
      %mul3A_146 = arith.mulf %get3A_139, %get3A_145 : vector<16xf32>
      %add3A_147 = arith.addf %scan3A_94, %mul3A_146 : vector<16xf32>
      scf.yield %add3A_105, %add3A_119, %add3A_133, %add3A_147 : vector<16xf32>, vector<16xf32>, vector<16xf32>, vector<16xf32>
    }
    %scan3A_21 = arith.constant 256 : i32
    %add3A = arith.addf %scan3A_20#0, %scan3A_20#1 : vector<16xf32>
    %add3A_22 = arith.addf %scan3A_20#2, %scan3A_20#3 : vector<16xf32>
    %add3A_23 = arith.addf %add3A, %add3A_22 : vector<16xf32>
    %swap3A = arith.constant 0 : index
    %swap3A_24 = tpu.vector_load %arg14[%swap3A] {strides = array<i32>} : memref<16xf32, #tpu.memory_space<vmem>>, vector<16xf32>,
    %swap3A_25 = vector.shape_cast %swap3A_24 : vector<16xf32> to vector<16xf32>
    %swap3A_26 = vector.shape_cast %add3A_23 : vector<16xf32> to vector<16xf32>
    tpu.vector_store %arg14[%swap3A], %swap3A_26 {strides = array<i32>} : memref<16xf32, #tpu.memory_space<vmem>>, vector<16xf32>,
    "tpu.region"() ({
      %run_scoped3A_90 = tpu.sem_alloc : memref<!tpu.dma_semaphore, #tpu.memory_space<semaphore_mem>>
      %dma_start3A_91 = arith.constant 0 : i32
      %dma_start3A_92 = tpu.memref_slice %arg17[%arg1, %dma_start3A_91] : memref<16x16xf32, #tpu.memory_space<vmem_shared>> -> memref<1x16xf32, #tpu.memory_space<vmem_shared>>
      %dma_start3A_93 = tpu.memref_squeeze %dma_start3A_92 : memref<1x16xf32, #tpu.memory_space<vmem_shared>> -> memref<16xf32, #tpu.memory_space<vmem_shared>>
      %dma_start3A_94 = arith.constant 0 : i32
      %dma_start3A_95 = tpu.memref_slice %arg17[%arg1, %dma_start3A_94] : memref<16x16xf32, #tpu.memory_space<vmem_shared>> -> memref<1x16xf32, #tpu.memory_space<vmem_shared>>
      %dma_start3A_96 = tpu.memref_squeeze %dma_start3A_95 : memref<1x16xf32, #tpu.memory_space<vmem_shared>> -> memref<16xf32, #tpu.memory_space<vmem_shared>>
      tpu.enqueue_dma source(%arg14 : memref<16xf32, #tpu.memory_space<vmem>>) target(%dma_start3A_96 : memref<16xf32, #tpu.memory_space<vmem_shared>>) target_semaphore(%run_scoped3A_90 : memref<!tpu.dma_semaphore, #tpu.memory_space<semaphore_mem>>)
      %dma_wait3A_97 = arith.constant 0 : i32
      %dma_wait3A_98 = tpu.memref_slice %arg17[%arg1, %dma_wait3A_97] : memref<16x16xf32, #tpu.memory_space<vmem_shared>> -> memref<1x16xf32, #tpu.memory_space<vmem_shared>>
      %dma_wait3A_99 = tpu.memref_squeeze %dma_wait3A_98 : memref<1x16xf32, #tpu.memory_space<vmem_shared>> -> memref<16xf32, #tpu.memory_space<vmem_shared>>
      %dma_wait3A_100 = arith.constant 0 : i32
      %dma_wait3A_101 = tpu.memref_slice %arg17[%arg1, %dma_wait3A_100] : memref<16x16xf32, #tpu.memory_space<vmem_shared>> -> memref<1x16xf32, #tpu.memory_space<vmem_shared>>
      %dma_wait3A_102 = tpu.memref_squeeze %dma_wait3A_101 : memref<1x16xf32, #tpu.memory_space<vmem_shared>> -> memref<16xf32, #tpu.memory_space<vmem_shared>>
      tpu.wait_dma2 semaphore(%run_scoped3A_90 : memref<!tpu.dma_semaphore, #tpu.memory_space<semaphore_mem>>) src(%arg14 : memref<16xf32, #tpu.memory_space<vmem>>) dst(%dma_wait3A_102 : memref<16xf32, #tpu.memory_space<vmem_shared>>)
      tpu.yield
    }) : () -> ()
    %barrier3A = arith.constant 0 : index
    tpu.barrier barrier_id(%barrier3A)
    "tpu.region"() ({
      %run_scoped3A_90 = tpu.sem_alloc : memref<!tpu.dma_semaphore, #tpu.memory_space<semaphore_mem>>
      tpu.enqueue_dma source(%arg17 : memref<16x16xf32, #tpu.memory_space<vmem_shared>>) target(%arg15 : memref<16x16xf32, #tpu.memory_space<vmem>>) target_semaphore(%run_scoped3A_90 : memref<!tpu.dma_semaphore, #tpu.memory_space<semaphore_mem>>)
      tpu.wait_dma2 semaphore(%run_scoped3A_90 : memref<!tpu.dma_semaphore, #tpu.memory_space<semaphore_mem>>) src(%arg17 : memref<16x16xf32, #tpu.memory_space<vmem_shared>>) dst(%arg15 : memref<16x16xf32, #tpu.memory_space<vmem>>)
      tpu.yield
    }) : () -> ()
    %broadcast_in_dim3A_27 = arith.constant 0.000000e+00 : f32
    %broadcast_in_dim3A_28 = vector.broadcast %broadcast_in_dim3A_27 : f32 to vector<16xf32>
    %scan3A_29 = arith.constant 0 : i32
    %scan3A_30 = arith.constant 16 : i32
    %scan3A_31 = arith.addi %scan3A_29, %scan3A_30 : i32
    %scan3A_32 = arith.constant 1 : i32
    %scan3A_33 = scf.for %scan3A_90 = %scan3A_29 to %scan3A_31 step %scan3A_32 iter_args(%scan3A_91 = %broadcast_in_dim3A_28) -> (vector<16xf32>)  : i32 {
      %get3A = arith.index_cast %scan3A_90 : i32 to index
      %get3A_92 = arith.constant 0 : index
      %get3A_93 = tpu.vector_load %arg15[%get3A, %get3A_92] {strides = array<i32>} : memref<16x16xf32, #tpu.memory_space<vmem>>, vector<1x16xf32>,
      %get3A_94 = vector.shape_cast %get3A_93 : vector<1x16xf32> to vector<16xf32>
      %add3A_95 = arith.addf %scan3A_91, %get3A_94 : vector<16xf32>
      scf.yield %add3A_95 : vector<16xf32>
    }
    %scan3A_34 = arith.constant 16 : i32
    %slice3A = vector.extract_strided_slice %scan3A_33 {offsets = [0], sizes = [1], strides = [1]} : vector<16xf32> to vector<1xf32>
    %squeeze3A = vector.extract %slice3A[0] : f32 from vector<1xf32>
    %slice3A_35 = vector.extract_strided_slice %scan3A_33 {offsets = [1], sizes = [1], strides = [1]} : vector<16xf32> to vector<1xf32>
    %squeeze3A_36 = vector.extract %slice3A_35[0] : f32 from vector<1xf32>
    %add3A_37 = arith.addf %squeeze3A, %squeeze3A_36 : f32
    %slice3A_38 = vector.extract_strided_slice %scan3A_33 {offsets = [2], sizes = [1], strides = [1]} : vector<16xf32> to vector<1xf32>
    %squeeze3A_39 = vector.extract %slice3A_38[0] : f32 from vector<1xf32>
    %add3A_40 = arith.addf %add3A_37, %squeeze3A_39 : f32
    %slice3A_41 = vector.extract_strided_slice %scan3A_33 {offsets = [3], sizes = [1], strides = [1]} : vector<16xf32> to vector<1xf32>
    %squeeze3A_42 = vector.extract %slice3A_41[0] : f32 from vector<1xf32>
    %add3A_43 = arith.addf %add3A_40, %squeeze3A_42 : f32
    %slice3A_44 = vector.extract_strided_slice %scan3A_33 {offsets = [4], sizes = [1], strides = [1]} : vector<16xf32> to vector<1xf32>
    %squeeze3A_45 = vector.extract %slice3A_44[0] : f32 from vector<1xf32>
    %add3A_46 = arith.addf %add3A_43, %squeeze3A_45 : f32
    %slice3A_47 = vector.extract_strided_slice %scan3A_33 {offsets = [5], sizes = [1], strides = [1]} : vector<16xf32> to vector<1xf32>
    %squeeze3A_48 = vector.extract %slice3A_47[0] : f32 from vector<1xf32>
    %add3A_49 = arith.addf %add3A_46, %squeeze3A_48 : f32
    %slice3A_50 = vector.extract_strided_slice %scan3A_33 {offsets = [6], sizes = [1], strides = [1]} : vector<16xf32> to vector<1xf32>
    %squeeze3A_51 = vector.extract %slice3A_50[0] : f32 from vector<1xf32>
    %add3A_52 = arith.addf %add3A_49, %squeeze3A_51 : f32
    %slice3A_53 = vector.extract_strided_slice %scan3A_33 {offsets = [7], sizes = [1], strides = [1]} : vector<16xf32> to vector<1xf32>
    %squeeze3A_54 = vector.extract %slice3A_53[0] : f32 from vector<1xf32>
    %add3A_55 = arith.addf %add3A_52, %squeeze3A_54 : f32
    %slice3A_56 = vector.extract_strided_slice %scan3A_33 {offsets = [8], sizes = [1], strides = [1]} : vector<16xf32> to vector<1xf32>
    %squeeze3A_57 = vector.extract %slice3A_56[0] : f32 from vector<1xf32>
    %add3A_58 = arith.addf %add3A_55, %squeeze3A_57 : f32
    %slice3A_59 = vector.extract_strided_slice %scan3A_33 {offsets = [9], sizes = [1], strides = [1]} : vector<16xf32> to vector<1xf32>
    %squeeze3A_60 = vector.extract %slice3A_59[0] : f32 from vector<1xf32>
    %add3A_61 = arith.addf %add3A_58, %squeeze3A_60 : f32
    %slice3A_62 = vector.extract_strided_slice %scan3A_33 {offsets = [10], sizes = [1], strides = [1]} : vector<16xf32> to vector<1xf32>
    %squeeze3A_63 = vector.extract %slice3A_62[0] : f32 from vector<1xf32>
    %add3A_64 = arith.addf %add3A_61, %squeeze3A_63 : f32
    %slice3A_65 = vector.extract_strided_slice %scan3A_33 {offsets = [11], sizes = [1], strides = [1]} : vector<16xf32> to vector<1xf32>
    %squeeze3A_66 = vector.extract %slice3A_65[0] : f32 from vector<1xf32>
    %add3A_67 = arith.addf %add3A_64, %squeeze3A_66 : f32
    %slice3A_68 = vector.extract_strided_slice %scan3A_33 {offsets = [12], sizes = [1], strides = [1]} : vector<16xf32> to vector<1xf32>
    %squeeze3A_69 = vector.extract %slice3A_68[0] : f32 from vector<1xf32>
    %add3A_70 = arith.addf %add3A_67, %squeeze3A_69 : f32
    %slice3A_71 = vector.extract_strided_slice %scan3A_33 {offsets = [13], sizes = [1], strides = [1]} : vector<16xf32> to vector<1xf32>
    %squeeze3A_72 = vector.extract %slice3A_71[0] : f32 from vector<1xf32>
    %add3A_73 = arith.addf %add3A_70, %squeeze3A_72 : f32
    %slice3A_74 = vector.extract_strided_slice %scan3A_33 {offsets = [14], sizes = [1], strides = [1]} : vector<16xf32> to vector<1xf32>
    %squeeze3A_75 = vector.extract %slice3A_74[0] : f32 from vector<1xf32>
    %add3A_76 = arith.addf %add3A_73, %squeeze3A_75 : f32
    %slice3A_77 = vector.extract_strided_slice %scan3A_33 {offsets = [15], sizes = [1], strides = [1]} : vector<16xf32> to vector<1xf32>
    %squeeze3A_78 = vector.extract %slice3A_77[0] : f32 from vector<1xf32>
    %add3A_79 = arith.addf %add3A_76, %squeeze3A_78 : f32
    %dma_wait3A_80 = arith.constant 0 : i32
    %dma_wait3A_81 = tpu.memref_slice %arg4[%dma_wait3A_80] : memref<100000xf32, #tpu.memory_space<hbm>> -> memref<100000xf32, #tpu.memory_space<hbm>>
    tpu.wait_indirect_dma semaphore(%arg20 : memref<!tpu.dma_semaphore, #tpu.memory_space<semaphore_mem>>) src(%dma_wait3A_81 : memref<100000xf32, #tpu.memory_space<hbm>>) dst(%arg12 : memref<1024xf32, #tpu.memory_space<vmem>>)
    %dma_wait3A_82 = arith.constant 0 : i32
    %dma_wait3A_83 = tpu.memref_slice %arg6[%dma_wait3A_82] : memref<100000xf32, #tpu.memory_space<hbm>> -> memref<100000xf32, #tpu.memory_space<hbm>>
    tpu.wait_indirect_dma semaphore(%arg21 : memref<!tpu.dma_semaphore, #tpu.memory_space<semaphore_mem>>) src(%dma_wait3A_83 : memref<100000xf32, #tpu.memory_space<hbm>>) dst(%arg13 : memref<1024xf32, #tpu.memory_space<vmem>>)
    %scan3A_84 = arith.constant 0 : i32
    %scan3A_85 = arith.constant 0 : i32
    %scan3A_86 = arith.constant 64 : i32
    %scan3A_87 = arith.addi %scan3A_85, %scan3A_86 : i32
    %scan3A_88 = arith.constant 1 : i32
    scf.for %scan3A_90 = %scan3A_85 to %scan3A_87 step %scan3A_88  : i32 {
      %mul3A_91 = arith.constant 16 : i32
      %mul3A_92 = arith.muli %scan3A_90, %mul3A_91 : i32
      %get3A = arith.index_cast %mul3A_92 : i32 to index
      %get3A_93 = tpu.vector_load %arg12[%get3A] {strides = array<i32>} : memref<1024xf32, #tpu.memory_space<vmem>>, vector<16xf32>,
      %get3A_94 = vector.shape_cast %get3A_93 : vector<16xf32> to vector<16xf32>
      %add3A_95 = vector.broadcast %add3A_79 : f32 to vector<16xf32>
      %add3A_96 = arith.addf %add3A_95, %get3A_94 : vector<16xf32>
      %mul3A_97 = arith.constant 16 : i32
      %mul3A_98 = arith.muli %scan3A_90, %mul3A_97 : i32
      %get3A_99 = arith.index_cast %mul3A_98 : i32 to index
      %get3A_100 = tpu.vector_load %arg13[%get3A_99] {strides = array<i32>} : memref<1024xf32, #tpu.memory_space<vmem>>, vector<16xf32>,
      %get3A_101 = vector.shape_cast %get3A_100 : vector<16xf32> to vector<16xf32>
      %add3A_102 = arith.addf %add3A_96, %get3A_101 : vector<16xf32>
      %neg3A = arith.constant 0.000000e+00 : f32
      %neg3A_103 = vector.broadcast %neg3A : f32 to vector<16xf32>
      %neg3A_104 = arith.subf %neg3A_103, %add3A_102 : vector<16xf32>
      %exp3A = math.exp %neg3A_104 : vector<16xf32>
      %add3A_105 = arith.constant 1.000000e+00 : f32
      %add3A_106 = vector.broadcast %add3A_105 : f32 to vector<16xf32>
      %add3A_107 = arith.addf %add3A_106, %exp3A : vector<16xf32>
      %div3A = arith.constant 1.000000e+00 : f32
      %div3A_108 = vector.broadcast %div3A : f32 to vector<16xf32>
      %div3A_109 = arith.divf %div3A_108, %add3A_107 : vector<16xf32>
      %mul3A_110 = arith.constant 16 : i32
      %mul3A_111 = arith.muli %scan3A_90, %mul3A_110 : i32
      %swap3A_112 = arith.index_cast %mul3A_111 : i32 to index
      %swap3A_113 = tpu.vector_load %arg16[%swap3A_112] {strides = array<i32>} : memref<1024xf32, #tpu.memory_space<vmem>>, vector<16xf32>,
      %swap3A_114 = vector.shape_cast %swap3A_113 : vector<16xf32> to vector<16xf32>
      %swap3A_115 = vector.shape_cast %div3A_109 : vector<16xf32> to vector<16xf32>
      tpu.vector_store %arg16[%swap3A_112], %swap3A_115 {strides = array<i32>} : memref<1024xf32, #tpu.memory_space<vmem>>, vector<16xf32>,
    }
    %scan3A_89 = arith.constant 64 : i32
    "tpu.region"() ({
      %run_scoped3A_90 = tpu.sem_alloc : memref<!tpu.dma_semaphore, #tpu.memory_space<semaphore_mem>>
      %dma_start3A_91 = tpu.memref_slice %arg7[%mul3A_0] : memref<16384xf32, #tpu.memory_space<hbm>> -> memref<1024xf32, #tpu.memory_space<hbm>>
      %dma_start3A_92 = tpu.memref_slice %arg7[%mul3A_0] : memref<16384xf32, #tpu.memory_space<hbm>> -> memref<1024xf32, #tpu.memory_space<hbm>>
      tpu.enqueue_dma source(%arg16 : memref<1024xf32, #tpu.memory_space<vmem>>) target(%dma_start3A_92 : memref<1024xf32, #tpu.memory_space<hbm>>) target_semaphore(%run_scoped3A_90 : memref<!tpu.dma_semaphore, #tpu.memory_space<semaphore_mem>>)
      %dma_wait3A_93 = tpu.memref_slice %arg7[%mul3A_0] : memref<16384xf32, #tpu.memory_space<hbm>> -> memref<1024xf32, #tpu.memory_space<hbm>>
      %dma_wait3A_94 = tpu.memref_slice %arg7[%mul3A_0] : memref<16384xf32, #tpu.memory_space<hbm>> -> memref<1024xf32, #tpu.memory_space<hbm>>
      tpu.wait_dma2 semaphore(%run_scoped3A_90 : memref<!tpu.dma_semaphore, #tpu.memory_space<semaphore_mem>>) src(%arg16 : memref<1024xf32, #tpu.memory_space<vmem>>) dst(%dma_wait3A_94 : memref<1024xf32, #tpu.memory_space<hbm>>)
      tpu.yield
    }) : () -> ()
    return
  }
}

</mosaic_0001>

<sc_bundles>
// kernel: _run.3.cloned.1.call-start
scs
__scs_entry_jumppad:
0x0: {  	(pc) =	sbr.rel $0x88, $3  }
0x1: {  	(tag) =	ssettag $0x0;
	lr =	simm.s32 $0x1  }
0x2: {  	[smem:$0x3F9C] =	sst lr;
	_ =	strace $0xD0000000  }
0x3: {  	_ = 	snop  }
0x4: {  	_ = 	snop  }
0x5: {  	_ = 	snop  }
0x6: {  	_ = 	snop  }
0x7: {  	_ = 	snop  }
__scs_overlays_trampoline_lowered:
0x8: {  	[smem:$0x3FAB] =	sst s0  }
0x9: {  	[smem:$0x3FAC] =	sst s1  }
0xa: {  	[smem:$0x3FAD] =	sst s2  }
0xb: {  	[smem:$0x3FAE] =	sst s3  }
0xc: {  	[smem:$0x3FAF] =	sst s4  }
0xd: {  	[smem:$0x3FB0] =	sst s5  }
0xe: {  	[smem:$0x3FB1] =	sst s6  }
0xf: {  	[smem:$0x3FB2] =	sst s7  }
0x10: {  	[smem:$0x3FB3] =	sst s8  }
0x11: {  	[smem:$0x3FB4] =	sst s9;
	s0 =	simm.s32 @!p0 $0x0  }
0x12: {  	s1 =	sld [smem:$0x3F9A];
	s0 =	simm.s32 @p0 $0x1  }
0x13: {  	[smem:$0x3FB5] =	sst s0;
	s0 =	simm.s32 @!p1 $0x0  }
0x14: {  	s2 =	sld [smem:$0x3F99];
	s0 =	simm.s32 @p1 $0x1  }
0x15: {  	[smem:$0x3FB6] =	sst s0;
	s0 =	simm.s32 @!p2 $0x0  }
0x16: {  	s3 =	sld [smem:$0x3FDB];
	s0 =	simm.s32 @p2 $0x1  }
0x17: {  	s4 =	simm.s32 $0x1BF5;
	[smem:$0x3FB8] =	sst s0  }
0x18: {  	s0 =	sld [smem:$0x3F9B];
	_ =	swait.ge [sflag:s4], $0x0  }
0x19: {  	s7 =	sld [smem:$0x3F9C]  }
0x1a: {  	s8 =	sadd.s32 $0xFFFFE003, lr  }
0x1b: {  	s9 =	sadd.s32 $0xFFFFFEF7, lr;
	s5 =	simm.s32 $0xFFFFFFFF;
	p2 =	slt.u32 s8, $0xFFFFF086  }
0x1c: {  	p1 =	slt.u32 s9, $0xF7A;
	s5 =	simm.s32 @!p2 $0x0  }
0x1d: {  	s5 =	simm.s32 @p1 $0x1;
	p0 =	seq.s32 s7, s2  }
0x1e: {  	s7 =	smul.u32 @!p0 $0xF7A, s2;
	p2 =	seq.s32 @!p0 s5, $0x0  }
0x1f: {  	s9 =	smul.u32 $0xF7A, s1;
	s8 =	simm.s32 @!p0 $0x1BF5;
	p2 =	por !p2, p0  }
0x20: {  	[sflag:s8] =	ssyncset.s32 @!p0 $0xFFFFF086;
	s6 =	sadd.s32 @!p0 s3, s7;
	s7 =	simm.s32 @!p0 $0x108  }
0x21: {  	s3 =	sadd.s32 s3, s9;
	s6 =	sadd.s32 @!p0 $0x88, s6;
	s7 =	simm.s32 @p2 $0x1082  }
0x22: {  	[simem:s7], [sflag:s8] =	dma.local @!p0 [hbm:s6], $0xF7A  }
0x23: {  	s9 =	sor.u32 $0xD0000000, s2;
	s6 =	simm.s32 $0x108;
	_ =	swait.ge @!p0 [sflag:s8], $0x0  }
0x24: {  	s3 =	sadd.s32 $0x88, s3;
	s6 =	simm.s32 @!p1 $0x1082;
	[sflag:s4] =	ssyncset.s32 $0xFFFFF086  }
0x25: {  	[simem:s6], [sflag:s4] =	dma.local [hbm:s3], $0xF7A  }
0x26: {  	[smem:$0x3F9C] =	sst s1;
	(tag) =	ssettag s2;
	_ =	strace s9  }
0x27: {  	s1 =	sld [smem:$0x3FAC]  }
0x28: {  	s2 =	sld [smem:$0x3FAD]  }
0x29: {  	s4 =	sld [smem:$0x3FAF]  }
0x2a: {  	p0 =	seq.s32 s5, $0x0;
	s5 =	sld [smem:$0x3FB0]  }
0x2b: {  	s6 =	sld [smem:$0x3FB1]  }
0x2c: {  	s7 =	sld [smem:$0x3FB2]  }
0x2d: {  	s3 =	simm.s32 $0x108;
	s8 =	sld [smem:$0x3FB3]  }
0x2e: {  	s3 =	simm.s32 @!p0 $0x1082;
	s9 =	sld [smem:$0x3FB4]  }
0x2f: {  	lr =	sadd.s32 s0, s3;
	s0 =	sld [smem:$0x3FAB]  }
0x30: {  	s3 =	sld [smem:$0x3FAE]  }
0x31: {  	[smem:$0x3FB7] =	sst s10  }
0x32: {  	s10 =	sld [smem:$0x3FB5];
	_ =	sdelay $0x3  }
0x33: {  	p0 =	seq.s32 s10, $0x1;
	s10 =	sld [smem:$0x3FB7];
	_ =	sdelay $0x3  }
0x34: {  	[smem:$0x3FB7] =	sst s10  }
0x35: {  	s10 =	sld [smem:$0x3FB6];
	_ =	sdelay $0x3  }
0x36: {  	p1 =	seq.s32 s10, $0x1;
	s10 =	sld [smem:$0x3FB7];
	_ =	sdelay $0x3  }
0x37: {  	[smem:$0x3FB7] =	sst s10  }
0x38: {  	s10 =	sld [smem:$0x3FB8]  }
0x39: {  	_ = 	snop;
	(pc) =	sbr.ind lr, $3  }
0x3a: {  	_ = 	snop  }
0x3b: {  	_ = 	snop  }
0x3c: {  	p2 =	seq.s32 s10, $0x1;
	s10 =	sld [smem:$0x3FB7]  }
0x3d: {  	_ =	shalt  }
0x3e: {  	_ =	shalt  }
0x3f: {  	_ =	shalt  }
0x40: {  	_ =	shalt  }
0x41: {  	_ =	shalt  }
0x42: {  	_ =	shalt  }
0x43: {  	_ =	shalt  }
0x44: {  	_ =	shalt  }
0x45: {  	_ =	shalt  }
0x46: {  	_ =	shalt  }
0x47: {  	_ =	shalt  }
0x48: {  	_ =	shalt  }
0x49: {  	_ =	shalt  }
0x4a: {  	_ =	shalt  }
0x4b: {  	_ =	shalt  }
0x4c: {  	_ =	shalt  }
0x4d: {  	_ =	shalt  }
0x4e: {  	_ =	shalt  }
0x4f: {  	_ =	shalt  }
0x50: {  	_ =	shalt  }
0x51: {  	_ =	shalt  }
0x52: {  	_ =	shalt  }
0x53: {  	_ =	shalt  }
0x54: {  	_ =	shalt  }
0x55: {  	_ =	shalt  }
0x56: {  	_ =	shalt  }
0x57: {  	_ =	shalt  }
0x58: {  	_ =	shalt  }
0x59: {  	_ =	shalt  }
0x5a: {  	_ =	shalt  }
0x5b: {  	_ =	shalt  }
0x5c: {  	_ =	shalt  }
0x5d: {  	_ =	shalt  }
0x5e: {  	_ =	shalt  }
0x5f: {  	_ =	shalt  }
0x60: {  	_ =	shalt  }
0x61: {  	_ =	shalt  }
0x62: {  	_ =	shalt  }
0x63: {  	_ =	shalt  }
0x64: {  	_ =	shalt  }
0x65: {  	_ =	shalt  }
0x66: {  	_ =	shalt  }
0x67: {  	_ =	shalt  }
0x68: {  	_ =	shalt  }
0x69: {  	_ =	shalt  }
0x6a: {  	_ =	shalt  }
0x6b: {  	_ =	shalt  }
0x6c: {  	_ =	shalt  }
0x6d: {  	_ =	shalt  }
0x6e: {  	_ =	shalt  }
0x6f: {  	_ =	shalt  }
0x70: {  	_ =	shalt  }
0x71: {  	_ =	shalt  }
0x72: {  	_ =	shalt  }
0x73: {  	_ =	shalt  }
0x74: {  	_ =	shalt  }
0x75: {  	_ =	shalt  }
0x76: {  	_ =	shalt  }
0x77: {  	_ =	shalt  }
0x78: {  	_ =	shalt  }
0x79: {  	_ =	shalt  }
0x7a: {  	_ =	shalt  }
0x7b: {  	_ =	shalt  }
0x7c: {  	_ =	shalt  }
0x7d: {  	_ =	shalt  }
0x7e: {  	_ =	shalt  }
0x7f: {  	_ =	shalt  }
0x80: {  	_ =	shalt  }
0x81: {  	_ =	shalt  }
0x82: {  	_ =	shalt  }
0x83: {  	_ =	shalt  }
0x84: {  	_ =	shalt  }
0x85: {  	_ =	shalt  }
0x86: {  	_ =	shalt  }
0x87: {  	_ =	shalt  }
.Lfunc_end0:
.L_simem_size_0:
called_computation_lowered:
.L_overlay_start_0:
0x88: {  	s0 =	sld [smem:$0x3FD9]  }
0x89: {  	s1 =	sld [smem:$0x3FFE];
	_ =	sdelay $0x3  }
0x8a: {  	s0 =	sadd.s32 s1, s0  }
0x8b: {  	[smem:$0x3FC3] =	sst s0  }
0x8c: {  	_ = 	snop  }
0x8d: {  	s0 =	sld [smem:$0x3FC7]  }
0x8e: {  	s16 =	sld [smem:$0x3FC5]  }
0x8f: {  	s2 =	sld [smem:$0x3FD0];
	(tm) =	ssettm $0x1  }
0x90: {  	s3 =	sld [smem:$0x3FFB];
	_ =	sdelay $0x3  }
0x91: {  	_ =	strace s3  }
0x92: {  	s3 =	sld [smem:$0x3FFC];
	_ =	sdelay $0x3  }
0x93: {  	_ =	strace s3  }
0x94: {  	s3 =	sld [smem:$0x3FFD];
	_ =	sdelay $0x3  }
0x95: {  	_ =	strace s3  }
0x96: {  	_ =	strace $0x8FFFFFFF  }
0x97: {  	s17 =	sld [smem:$0x3FDB];
	_ =	sdelay $0x1  }
0x98: {  	s4 =	simm.s32 $_scs_section_size  }
0x99: {  	s5 =	simm.s32 $_size__tile_overlayer_lowered;
	s6 =	simm.s32 $_tile_overlayer_lowered  }
0x9a: {  	s20 =	simm.s32 $0x1BFF;
	s19 =	sshll.u32 s6, $0x1;
	s3 =	sadd.s32 s4, s17  }
0x9b: {  	s7 =	simm.s32 $0x0;
	s18 =	sshll.u32 s5, $0x1;
	s5 =	sadd.s32 s19, s3  }
0x9c: {  	[timem:s7], [sflag:s20] =	dma.local [hbm:s5], s18  }
0x9d: {  	_ =	swait.ge [sflag:s20], s18  }
0x9e: {  	s4 =	ssub.s32 $0x0, s18;
	[sflag:s20] =	ssyncset.done $0x0  }
0x9f: {  	[sflag:s20] =	ssyncadd.s32 s4;
	_ =	sdelay $0x1  }
0xa0: {  	s21 =	simm.s32 $0x1B8B  }
0xa1: {  	_ =	swait.ge [sflag:s21], $0x1  }
0xa2: {  	[sflag:s21] =	ssyncset.done $0x0  }
0xa3: {  	s23 =	simm.s32 $0x1B8E;
	s22 =	sld [smem:$0x3FFE];
	[sflag:s21] =	ssyncadd.s32 $0xFFFFFFFF  }
0xa4: {  	s24 =	simm.s32 $execute0_lowered;
	[smem:$0x3FD2] =	sst s23  }
0xa5: {  	s5 =	sshll.u32 s24, $0x1;
	_ =	strace $0x80000046;
	[dreg:$0x1] =	wrdreg $0xFFFFFFFF  }
0xa6: {  	s25 =	simm.s32 $_size_execute0_lowered;
	s3 =	sadd.s32 s3, s5;
	[dreg:$0x0] =	wrdreg $0x0  }
0xa7: {  	s5 =	sshll.u32 s25, $0x1;
	[dreg:$0x2] =	wrdreg s3  }
0xa8: {  	[dreg:$0x3] =	wrdreg s5  }
0xa9: {  	[dreg:$0x4] =	wrdreg $0xC0  }
0xaa: {  	_ =	task [dreg:s7], $0x5FFFF  }
0xab: {  	[dreg:$0x1] =	wrdreg $0xFFFFFFFF  }
0xac: {  	[dreg:$0x0] =	wrdreg $0x60  }
0xad: {  	[dreg:$0x2] =	wrdreg s22  }
0xae: {  	[dreg:$0x3] =	wrdreg s0  }
0xaf: {  	[dreg:$0x4] =	wrdreg s16  }
0xb0: {  	[dreg:$0x5] =	wrdreg s2  }
0xb1: {  	[dreg:$0x6] =	wrdreg $0x95100  }
0xb2: {  	[dreg:$0x7] =	wrdreg $0x9  }
0xb3: {  	_ =	task.clear_ibuf [dreg:s7], $0x8FFFF;
	_ =	strace $0x90000046  }
0xb4: {  	s26 =	simm.s32 $0x9;
	_ =	strace $0x80000048  }
0xb5: {  	_ =	swait.ge [sflag:s26], $0x1  }
0xb6: {  	[sflag:s26] =	ssyncadd.s32 $0xFFFFFFFF  }
0xb7: {  	_ =	strace $0x90000048  }
0xb8: {  	_ =	sfence  }
0xb9: {  	s28 =	sld [smem:$0x0];
	_ =	sdelay $0x1  }
0xba: {  	s29 =	srdreg.scid  }
0xbb: {  	s30 =	sshll.u32 s29, $0xD;
	s31 =	sshrl.u32 s29, $0x2  }
0xbc: {  	s1 =	sand.u32 $0x1, s29;
	s2 =	sand.u32 $0x4000, s30;
	s0 =	sadd.s32 s31, s28  }
0xbd: {  	s1 =	sor.u32 s2, s1;
	s0 =	sshll.u32 s0, $0x11  }
0xbe: {  	s0 =	sor.u32 s0, s1  }
0xbf: {  	s0 =	sadd.s32 $0x8F2B, s0  }
0xc0: {  	[sflag:s0] =	ssyncadd.remote.s32 $0x1  }
0xc1: {  	_ =	sfence.sel $0xFFFF  }
0xc2: {  	[dreg:$0x0] =	wrdreg $0xFFFFFFFF;
	(pc) =	sbr.abs _section_cstart, $3  }
0xc3: {  	[dreg:$0x1] =	wrdreg $0xFFFFFFFF  }
0xc4: {  	_ =	task.clear_ibuf [dreg:s7], $0x2FFFF;
	_ =	strace $0x9FFFFFFF  }
0xc5: {  	(tm) =	ssettm $0x7FFFFFFF  }
tec
execute0_lowered:
.L_overlay_start_1:
0x0: {  	(tag) =	ssettag $0x1  }
0x1: {  	s5 =	rddreg [dreg:$0x0]  }
0x2: {  	s6 =	rddreg [dreg:$0x1]  }
0x3: {  	s7 =	rddreg [dreg:$0x2]  }
0x4: {  	s2 =	rddreg [dreg:$0x3]  }
0x5: {  	s4 =	rddreg [dreg:$0x4];
	s1 =	stileid.u32  }
0x6: {  	s0 =	rddreg [dreg:$0x5];
	s8 =	simm.s32 $0x0;
	s3 =	sshll.u32 s1, $0x7  }
0x7: {  	[smem:$0x7FF] =	sst s8;
	s9 =	sadd.s32 s3, s5  }
0x8: {  	s22 =	simm.s32 $0x5;
	_ =	strace $0x80000047;
	s10 =	sadd.s32 $0x800, s9  }
0x9: {  	[tilespmem:s8], [sflag:$0x5] =	stream.linear.gather [hbm4b:s10+s8], $0x400, $0x38;
	[tilespmem:$0x9520] =	vst v63  }
0xa: {  	_ =	swait.ge [sflag:s22], $0x400  }
0xb: {  	[sflag:s22] =	ssyncset.done $0x0  }
0xc: {  	s11 =	simm.s32 $0x400;
	s9 =	sadd.s32 $0x1000, s9;
	[sflag:s22] =	ssyncadd.s32 $0xFFFFFC00  }
0xd: {  	[tilespmem:s11], [sflag:$0x5] =	stream.linear.gather [hbm4b:s9+s8], $0x400, $0x38;
	[tilespmem:$0x9520] =	vst v63  }
0xe: {  	_ =	swait.ge [sflag:s22], $0x400  }
0xf: {  	[sflag:s22] =	ssyncset.done $0x0  }
0x10: {  	s24 =	simm.s32 $0x800;
	s23 =	sadd.s32 $0x1B8000, s5;
	[sflag:s22] =	ssyncadd.s32 $0xFFFFFC00  }
0x11: {  	[tilespmem:s24], [sflag:$0x1] =	stream.indirect.gather [hbm4b:s23+s11], $0x10, s8, s11, $0xb8;
	[tilespmem:$0x9520] =	vst v63  }
0x12: {  	s25 =	simm.s32 $0x4800;
	s5 =	sadd.s32 $0x187200, s5  }
0x13: {  	[tilespmem:s25], [sflag:$0x2] =	stream.indirect.gather [hbm4b:s5+s11], $0x10, s11, s11, $0xb8;
	[tilespmem:$0x9520] =	vst v63  }
0x14: {  	s26 =	simm.s32 $0x8800  }
0x15: {  	[tilespmem:s26], [sflag:$0x3] =	stream.indirect.gather [hbm4b:s6+s11], $0x1, s8, s11, $0xb8;
	[tilespmem:$0x9520] =	vst v63  }
0x16: {  	s28 =	simm.s32 $0x8C00;
	s29 =	simm.s32 $0x1  }
0x17: {  	[tilespmem:s28], [sflag:$0x4] =	stream.indirect.gather [hbm4b:s7+s11], $0x1, s11, s11, $0xb8;
	[tilespmem:$0x9520] =	vst v63  }
0x18: {  	_ =	swait.ge [sflag:s29], $0x4000  }
0x19: {  	[sflag:s29] =	ssyncset.done $0x0  }
0x1a: {  	s30 =	simm.s32 $0x2;
	[sflag:s29] =	ssyncadd.s32 $0xFFFFC000  }
0x1b: {  	_ =	swait.ge [sflag:s30], $0x4000  }
0x1c: {  	[sflag:s30] =	ssyncset.done $0x0  }
0x1d: {  	s31 =	simm.s32 $0x0;
	[sflag:s30] =	ssyncadd.s32 $0xFFFFC000  }
0x1e: {  	v0 =	vld [tilespmem:s31+$0x830]  }
0x1f: {  	v1 =	vld [tilespmem:s31+$0x4830]  }
0x20: {  	v4 =	vld [tilespmem:s31+$0x800]  }
0x21: {  	v5 =	vld [tilespmem:s31+$0x4800];
	_ =	sdelay $0x1  }
0x22: {  	v2 =	vld [tilespmem:s31+$0x810]  }
0x23: {  	v6 =	vld [tilespmem:s31+$0x4810]  }
0x24: {  	v3 =	vld [tilespmem:s31+$0x820];
	v0 =	vmul.f32 v1, v0  }
0x25: {  	s5 =	simm.s32 $0x40;
	v8 =	vld [tilespmem:s31+$0x4820];
	v1 =	vimm.f32 $0.0e+00;
	v9 =	vmul.f32 v5, v4  }
0x26: {  	s6 =	simm.s32 $0x200;
	v7 =	vld [tilespmem:s5+$0x830];
	v5 =	vimm.f32 $0.0e+00;
	v4 =	vimm.f32 $0.0e+00;
	v0 =	vadd.f32 v0, v1  }
.LBB2_1:
0x27: {  	p0 =	sne.s32 s6, $0xFF00;
	v10 =	vld [tilespmem:s5+$0x4830]  }
0x28: {  	v11 =	vld [tilespmem:s5+$0x800];
	v1 =	vadd.f32 v9, v1;
	v6 =	vmul.f32 v6, v2  }
0x29: {  	v9 =	vld [tilespmem:s5+$0x4800]  }
.Ltmp0:
0x2a: {  	v2 =	vld [tilespmem:s5+$0x810];
	v5 =	vadd.f32 v6, v5;
	v8 =	vmul.f32 v8, v3;
	(pc) =	sbr.rel @p0 .LBB2_1-.Ltmp0, $4  }
0x2b: {  	v6 =	vld [tilespmem:s5+$0x4810]  }
0x2c: {  	v3 =	vld [tilespmem:s5+$0x820];
	v10 =	vmul.f32 v10, v7;
	v4 =	vadd.f32 v8, v4  }
0x2d: {  	v8 =	vld [tilespmem:s5+$0x4820];
	s5 =	sshra.s32 s6, $0x2  }
0x2e: {  	s6 =	sadd.s32 $0x100, s6;
	v7 =	vld [tilespmem:s5+$0x830];
	v9 =	vmul.f32 v9, v11;
	v0 =	vadd.f32 v10, v0  }
0x2f: {  	v10 =	vld [tilespmem:s5+$0x4830]  }
0x30: {  	v11 =	vld [tilespmem:s5+$0x800]  }
0x31: {  	v12 =	vld [tilespmem:s5+$0x4800]  }
0x32: {  	v13 =	vld [tilespmem:s5+$0x810]  }
0x33: {  	v14 =	vld [tilespmem:s5+$0x4810]  }
0x34: {  	v15 =	vld [tilespmem:s5+$0x820]  }
0x35: {  	v16 =	vld [tilespmem:s5+$0x4820];
	_ =	sdelay $0x1  }
0x36: {  	v2 =	vmul.f32 v6, v2  }
0x37: {  	v1 =	vadd.f32 v9, v1;
	v3 =	vmul.f32 v8, v3  }
0x38: {  	v2 =	vadd.f32 v2, v5;
	v5 =	vmul.f32 v10, v7;
	v6 =	vmul.f32 v12, v11  }
0x39: {  	v3 =	vadd.f32 v3, v4;
	v4 =	vmul.f32 v14, v13;
	v7 =	vmul.f32 v16, v15  }
0x3a: {  	v0 =	vadd.f32 v5, v0;
	v1 =	vadd.f32 v6, v1  }
0x3b: {  	v2 =	vadd.f32 v4, v2;
	v3 =	vadd.f32 v7, v3;
	_ =	sdelay $0x1  }
0x3c: {  	v1 =	vadd.f32 v2, v1;
	v0 =	vadd.f32 v0, v3;
	_ =	sdelay $0x1  }
0x3d: {  	v0 =	vadd.f32 v0, v1  }
0x3e: {  	s13 =	sshll.u32 s1, $0x4  }
0x3f: {  	s6 =	simm.s32 $0x9000;
	s14 =	simm.s32 $0x5;
	s5 =	sadd.s32 s13, s4;
	[tilespmem:$0x9000] =	vst v0  }
0x40: {  	[spmem:s5] =	stream.linear.scatter [tilespmem:s6], [sflag:$0x5], $0x10, $0x38;
	[tilespmem:$0x9520] =	vst v63  }
0x41: {  	_ =	swait.ge [sflag:s14], $0x10  }
0x42: {  	[sflag:s14] =	ssyncset.done $0x0  }
0x43: {  	[sflag:s14] =	ssyncadd.s32 $0xFFFFFFF0  }
0x44: {  	s15 =	simm.s32 $0x9010;
	[bflag:$0x0] =	sbarrier.arrive $0xFFFF  }
0x45: {  	[tilespmem:s15], [sflag:$0x5] =	stream.linear.gather [spmem:s4], $0x100, $0x38;
	[tilespmem:$0x9520] =	vst v63  }
0x46: {  	_ =	swait.ge [sflag:s14], $0x100  }
0x47: {  	[sflag:s14] =	ssyncset.done $0x0  }
0x48: {  	[sflag:s14] =	ssyncadd.s32 $0xFFFFFF00  }
0x49: {  	v0 =	vld [tilespmem:$0x9010];
	_ =	sdelay $0x1  }
0x4a: {  	v1 =	vld [tilespmem:$0x9020];
	_ =	sdelay $0x1  }
0x4b: {  	v2 =	vld [tilespmem:$0x9030]  }
0x4c: {  	v0 =	vadd.f32 $0.0e+00, v0  }
0x4d: {  	v3 =	vld [tilespmem:$0x9040]  }
0x4e: {  	v0 =	vadd.f32 v1, v0  }
0x4f: {  	v1 =	vld [tilespmem:$0x9050]  }
0x50: {  	v0 =	vadd.f32 v2, v0  }
0x51: {  	v2 =	vld [tilespmem:$0x9060]  }
0x52: {  	v0 =	vadd.f32 v3, v0  }
0x53: {  	v3 =	vld [tilespmem:$0x9070]  }
0x54: {  	v0 =	vadd.f32 v1, v0  }
0x55: {  	v1 =	vld [tilespmem:$0x9080]  }
0x56: {  	v0 =	vadd.f32 v2, v0  }
0x57: {  	v2 =	vld [tilespmem:$0x9090]  }
0x58: {  	v0 =	vadd.f32 v3, v0  }
0x59: {  	v3 =	vld [tilespmem:$0x90A0]  }
0x5a: {  	v0 =	vadd.f32 v1, v0  }
0x5b: {  	v1 =	vld [tilespmem:$0x90B0]  }
0x5c: {  	v0 =	vadd.f32 v2, v0  }
0x5d: {  	v2 =	vld [tilespmem:$0x90C0]  }
0x5e: {  	v0 =	vadd.f32 v3, v0  }
0x5f: {  	v3 =	vld [tilespmem:$0x90D0]  }
0x60: {  	v0 =	vadd.f32 v1, v0  }
0x61: {  	v1 =	vld [tilespmem:$0x90E0]  }
0x62: {  	v0 =	vadd.f32 v2, v0  }
0x63: {  	v2 =	vld [tilespmem:$0x90F0]  }
0x64: {  	v0 =	vadd.f32 v3, v0  }
0x65: {  	v3 =	vld [tilespmem:$0x9100]  }
0x66: {  	v0 =	vadd.f32 v1, v0;
	_ =	sdelay $0x1  }
0x67: {  	v0 =	vadd.f32 v2, v0;
	_ =	sdelay $0x1  }
0x68: {  	v0 =	vadd.f32 v3, v0;
	_ =	sdelay $0x1  }
0x69: {  	(v2sf) =	vpush v0, $0x0  }
0x6a: {  	(v2sf) =	vpush v0, $0x1;
	_ =	sdelay $0x1  }
0x6b: {  	(v2sf) =	vpush v0, $0x2;
	_ =	sdelay $0x1  }
0x6c: {  	(v2sf) =	vpush v0, $0x3;
	_ =	sdelay $0x1  }
0x6d: {  	(v2sf) =	vpush v0, $0x4;
	_ =	sdelay $0x1  }
0x6e: {  	(v2sf) =	vpush v0, $0x5;
	_ =	sdelay $0x1  }
0x6f: {  	(v2sf) =	vpush v0, $0x6;
	_ =	sdelay $0x1  }
0x70: {  	(v2sf) =	vpush v0, $0x7  }
0x71: {  	(v2sf) =	vpush v0, $0x8  }
0x72: {  	s16 =	spop (v2sf);
	(v2sf) =	vpush v0, $0x9  }
0x73: {  	s17 =	spop (v2sf);
	(v2sf) =	vpush v0, $0xA  }
0x74: {  	s4 =	sadd.f32 s17, s16;
	(v2sf) =	vpush v0, $0xB  }
0x75: {  	s18 =	spop (v2sf);
	(v2sf) =	vpush v0, $0xC  }
0x76: {  	s4 =	sadd.f32 s4, s18;
	(v2sf) =	vpush v0, $0xD  }
0x77: {  	s19 =	spop (v2sf);
	(v2sf) =	vpush v0, $0xE  }
0x78: {  	s4 =	sadd.f32 s4, s19;
	(v2sf) =	vpush v0, $0xF  }
0x79: {  	s20 =	spop (v2sf)  }
0x7a: {  	s4 =	sadd.f32 s4, s20  }
0x7b: {  	s21 =	spop (v2sf)  }
0x7c: {  	s4 =	sadd.f32 s4, s21  }
0x7d: {  	s22 =	spop (v2sf)  }
0x7e: {  	s4 =	sadd.f32 s4, s22  }
0x7f: {  	s23 =	spop (v2sf)  }
0x80: {  	s24 =	spop (v2sf);
	s4 =	sadd.f32 s4, s23  }
0x81: {  	s25 =	spop (v2sf)  }
0x82: {  	s7 =	spop (v2sf);
	s4 =	sadd.f32 s4, s24  }
0x83: {  	s26 =	spop (v2sf)  }
0x84: {  	s8 =	spop (v2sf);
	s4 =	sadd.f32 s4, s25  }
0x85: {  	s28 =	spop (v2sf)  }
0x86: {  	s9 =	spop (v2sf);
	s4 =	sadd.f32 s4, s7  }
0x87: {  	s10 =	simm.s32 $0x3;
	s29 =	spop (v2sf)  }
0x88: {  	s4 =	sadd.f32 s4, s26;
	_ =	swait.ge [sflag:s10], $0x400  }
0x89: {  	[sflag:s10] =	ssyncset.done $0x0  }
0x8a: {  	s30 =	simm.s32 $0x4;
	s4 =	sadd.f32 s4, s8;
	[sflag:s10] =	ssyncadd.s32 $0xFFFFFC00  }
0x8b: {  	_ =	swait.ge [sflag:s30], $0x400  }
0x8c: {  	s5 =	sadd.f32 s4, s28;
	[sflag:s30] =	ssyncset.done $0x0  }
0x8d: {  	s4 =	simm.s32 $0x0;
	[sflag:s30] =	ssyncadd.s32 $0xFFFFFC00  }
0x8e: {  	s31 =	sadd.f32 s5, s9;
	v1 =	vld [tilespmem:s4+$0x8800];
	_ =	sdelay $0x1  }
0x8f: {  	v2 =	vld [tilespmem:s4+$0x8C00];
	s6 =	sadd.f32 s31, s29  }
0x90: {  	s5 =	simm.s32 $0x10  }
0x91: {  	v3 =	vld [tilespmem:s5+$0x8800];
	v0 =	vmov s6  }
0x92: {  	v1 =	vadd.f32 v1, v0  }
0x93: {  	v4 =	vld [tilespmem:s5+$0x8C00];
	s6 =	simm.s32 $0x20  }
0x94: {  	v5 =	vld [tilespmem:s6+$0x8800];
	v1 =	vadd.f32 v2, v1;
	_ =	sdelay $0x1  }
0x95: {  	v2 =	vadd.f32 v3, v0;
	v3 =	vld [tilespmem:s6+$0x8C00];
	v1 =	vsub.f32 $0.0e+00, v1;
	_ =	sdelay $0x1  }
0x96: {  	v1 =	vmul.f32 $1.442695020e+00, v1  }
0x97: {  	v2 =	vadd.f32 v4, v2;
	v4 =	vadd.f32 v5, v0  }
0x98: {  	(erf) = vpow2.f32 v1  }
0x99: {  	v2 =	vsub.f32 $0.0e+00, v2;
	v3 =	vadd.f32 v3, v4  }
0x9a: {  	s7 =	simm.s32 $0x30  }
0x9b: {  	v1 =	vmul.f32 $1.442695020e+00, v2;
	v2 =	vld [tilespmem:s7+$0x8800];
	v3 =	vsub.f32 $0.0e+00, v3;
	_ =	sdelay $0x1  }
0x9c: {  	(erf) = vpow2.f32 v1;
	v1 =	vld [tilespmem:s7+$0x8C00];
	v3 =	vmul.f32 $1.442695020e+00, v3;
	_ =	sdelay $0x2  }
0x9d: {  	v2 =	vadd.f32 v2, v0  }
0x9e: {  	s8 =	simm.s32 $0x40;
	(erf) = vpow2.f32 v3;
	v3 =	vpop (erf)  }
0x9f: {  	v4 =	vld [tilespmem:s8+$0x8800];
	v1 =	vadd.f32 v1, v2;
	v3 =	vadd.f32 $1.000000000e+00, v3;
	_ =	sdelay $0x1  }
0xa0: {  	v2 =	vld [tilespmem:s8+$0x8C00];
	v1 =	vsub.f32 $0.0e+00, v1;
	(erf) = vrcp.f32 v3;
	_ =	sdelay $0x1  }
0xa1: {  	v5 =	vpop (erf);
	v6 =	vmul.f32 $1.442695020e+00, v1  }
0xa2: {  	s9 =	simm.s32 $0x50;
	v4 =	vadd.f32 v4, v0;
	v3 =	vadd.f32 $1.000000000e+00, v5  }
0xa3: {  	v1 =	vld [tilespmem:s9+$0x8800];
	(erf) = vpow2.f32 v6  }
0xa4: {  	v4 =	vadd.f32 v2, v4;
	(erf) = vrcp.f32 v3  }
0xa5: {  	v2 =	vld [tilespmem:s9+$0x8C00]  }
0xa6: {  	v4 =	vsub.f32 $0.0e+00, v4  }
0xa7: {  	s10 =	simm.s32 $0x180;
	v3 =	vpop (erf)  }
.LBB2_3:
0xa8: {  	s11 =	sshra.s32 s10, $0x2;
	v5 =	vadd.f32 v1, v0;
	v4 =	vmul.f32 $1.442695020e+00, v4;
	v6 =	vpop (erf);
	p0 =	sne.s32 s10, $0xFC0  }
.Ltmp1:
0xa9: {  	s10 =	sadd.s32 $0x40, s10;
	v3 =	vadd.f32 $1.000000000e+00, v3;
	v1 =	vld [tilespmem:s11+$0x8800];
	[tilespmem:s4+$0x9110] =	vst v6;
	(pc) =	sbr.rel @p0 .LBB2_3-.Ltmp1, $4  }
0xaa: {  	s4 =	smov.u32 s5;
	s5 =	smov.u32 s6;
	s6 =	smov.u32 s7;
	v5 =	vadd.f32 v2, v5;
	(erf) = vpow2.f32 v4  }
0xab: {  	s7 =	smov.u32 s8;
	s8 =	smov.u32 s9;
	s9 =	smov.u32 s11;
	v2 =	vld [tilespmem:s11+$0x8C00];
	(erf) = vrcp.f32 v3  }
0xac: {  	v4 =	vsub.f32 $0.0e+00, v5  }
0xad: {  	v3 =	vpop (erf)  }
0xae: {  	v0 =	vadd.f32 v1, v0;
	_ =	sdelay $0x1  }
0xaf: {  	v0 =	vadd.f32 v2, v0;
	_ =	sdelay $0x1  }
0xb0: {  	v53 =	vmul.f32 $1.442695020e+00, v4;
	v0 =	vsub.f32 $0.0e+00, v0  }
0xb1: {  	v54 =	vadd.f32 $1.000000000e+00, v3  }
0xb2: {  	(erf) = vpow2.f32 v53;
	v0 =	vmul.f32 $1.442695020e+00, v0  }
0xb3: {  	(erf) = vrcp.f32 v54  }
0xb4: {  	(erf) = vpow2.f32 v0;
	_ =	sdelay $0x3  }
0xb5: {  	v55 =	vpop (erf)  }
0xb6: {  	v56 =	vpop (erf)  }
0xb7: {  	v57 =	vpop (erf)  }
0xb8: {  	v58 =	vpop (erf)  }
0xb9: {  	v1 =	vadd.f32 $1.000000000e+00, v56;
	v59 =	vpop (erf)  }
0xba: {  	v3 =	vadd.f32 $1.000000000e+00, v58;
	v5 =	vpop (erf)  }
0xbb: {  	(erf) = vrcp.f32 v1;
	v60 =	vadd.f32 $1.000000000e+00, v5  }
0xbc: {  	(erf) = vrcp.f32 v3  }
0xbd: {  	(erf) = vrcp.f32 v60;
	_ =	sdelay $0x4  }
0xbe: {  	[tilespmem:s4+$0x9110] =	vst v55  }
0xbf: {  	[tilespmem:s5+$0x9110] =	vst v57  }
0xc0: {  	[tilespmem:s6+$0x9110] =	vst v59;
	v61 =	vpop (erf)  }
0xc1: {  	[tilespmem:s7+$0x9110] =	vst v61;
	v62 =	vpop (erf)  }
0xc2: {  	s2 =	sadd.s32 s2, s3;
	[tilespmem:s8+$0x9110] =	vst v62;
	v63 =	vpop (erf)  }
0xc3: {  	s29 =	simm.s32 $0x0;
	s30 =	simm.s32 $0x9110;
	s31 =	simm.s32 $0x5;
	[tilespmem:s9+$0x9110] =	vst v63  }
0xc4: {  	[hbm4b:s2+s29] =	stream.linear.scatter [tilespmem:s30], [sflag:$0x5], $0x400, $0x38;
	[tilespmem:$0x9520] =	vst v63  }
0xc5: {  	_ =	swait.ge [sflag:s31], $0x400  }
0xc6: {  	[sflag:s31] =	ssyncset.done $0x0  }
0xc7: {  	[sflag:s31] =	ssyncadd.s32 $0xFFFFFC00  }
0xc8: {  	_ =	sfence.sel $0x180000  }
0xc9: {  	[bflag:$0x0] =	sbarrier.arrive $0xFFFF  }
0xca: {  	p0 =	sne.s32 s1, $0x0;
	_ =	strace $0x90000047  }
0xcb: {  	s0 =	sadd.s32 @!p0 $0x100000, s0;
	[bflag:$0x2] =	sbarrier.arrive $0xFFFF  }
0xcc: {  	[sflag:s0] =	ssyncadd.tile.s32 @!p0 $0x1;
	_ =	shalt  }
.Lfunc_end2:
_tile_overlayer_lowered:
.L_overlay_start_2:
0xcd: {  	(tag) =	ssettag $0x2  }
0xce: {  	s0 =	rddreg [dreg:$0x0];
	s2 =	stileid.u32  }
0xcf: {  	s1 =	rddreg [dreg:$0x1];
	p0 =	sne.s32 s2, $0x0  }
0xd0: {  	s3 =	rddreg [dreg:$0x2];
	[bflag:$0x3] =	sbarrier.arrive $0xFFFF;
	s2 =	simm.s32 @!p0 $0x1C05  }
0xd1: {  	[timem:s3], [sflag:s2] =	dma.local @!p0 [hbm:s0], s1  }
0xd2: {  	s0 =	simm.s32 @!p0 $0x5  }
0xd3: {  	_ =	swait.ge @!p0 [sflag:s0], s1  }
0xd4: {  	s1 =	ssub.s32 @!p0 $0x0, s1;
	[sflag:s0] =	ssyncset.done @!p0 $0x0  }
0xd5: {  	[sflag:s0] =	ssyncadd.s32 @!p0 s1  }
0xd6: {  	[bflag:$0x3] =	sbarrier.arrive $0xFFFF  }
0xd7: {  	_ =	shalt  }

</sc_bundles>
